<compile_context>
chip_gen: v7x
topology: tpu7x:2x2x1
jax: 0.10.2.dev20260603
libtpu: 0.0.44.dev20260713+nightly
codegen_flags: <defaults>
</compile_context>

<pallas_src>
import functools

import jax
import jax.numpy as jnp
from jax import lax
from jax.experimental import pallas as pl
from jax.experimental.pallas import tpu as pltpu
from jax.experimental.pallas import tpu_sc as plsc

NUM_CODES = 100000
EMB = 32
BATCH = 16384
NT = 4
NC = 2
NS = 16
NW = NC * NS
B_PER_W = BATCH // NW
CH = 128
NCHUNK = B_PER_W // CH
D = NT * EMB


TBLK = 1024
NBLK = -(-NUM_CODES // TBLK)


@functools.cache
def _build_tc_relayout():

    def body(w0_ref, w1_ref, w2_ref, w3_ref, out_ref):
        stacked = jnp.concatenate(
            [w[...] for w in (w0_ref, w1_ref, w2_ref, w3_ref)], axis=0
        )
        out_ref[...] = stacked.T

    in_spec = pl.BlockSpec((EMB, TBLK), lambda i: (0, i))
    return pl.pallas_call(
        body,
        grid=(NBLK,),
        in_specs=[in_spec] * NT,
        out_specs=pl.BlockSpec((TBLK, D), lambda i: (i, 0)),
        out_shape=jax.ShapeDtypeStruct((NUM_CODES, D), jnp.float32),
    )


@functools.cache
def _build():
    mesh = plsc.VectorSubcoreMesh(core_axis_name="c", subcore_axis_name="s")

    scratch = (
        [pltpu.VMEM((CH,), jnp.int32) for _ in range(NCHUNK)]
        + [pltpu.VMEM((CH, D), jnp.float32) for _ in range(NCHUNK)]
        + [pltpu.SemaphoreType.DMA, pltpu.SemaphoreType.DMA]
    )

    @functools.partial(
        pl.kernel,
        mesh=mesh,
        out_type=jax.ShapeDtypeStruct((BATCH, D), jnp.float32),
        scratch_types=scratch,
    )
    def sc_gather(ids_hbm, wcat_hbm, out_hbm, *scratch_refs):
        idx_v = scratch_refs[:NCHUNK]
        rows_v = scratch_refs[NCHUNK:2 * NCHUNK]
        gsem, osem = scratch_refs[-2:]
        wid = lax.axis_index("s") * NC + lax.axis_index("c")
        base = wid * B_PER_W

        for j in range(NCHUNK):
            pltpu.sync_copy(ids_hbm.at[pl.ds(base + j * CH, CH)], idx_v[j])

        gathers = [
            pltpu.async_copy(wcat_hbm.at[idx_v[j]], rows_v[j], gsem)
            for j in range(NCHUNK)
        ]
        for g in gathers:
            g.wait()

        writes = [
            pltpu.async_copy(rows_v[j], out_hbm.at[pl.ds(base + j * CH, CH)],
                             osem)
            for j in range(NCHUNK)
        ]
        for w in writes:
            w.wait()

    return sc_gather


def kernel(code_ids, W0, W1, W2, W3):
    ids = code_ids.astype(jnp.int32)
    wcat = _build_tc_relayout()(W0.T, W1.T, W2.T, W3.T)
    return _build()(ids, wcat)

# --- scband reference (transcript-rebuilt; emitter-appended) ---
"""Pipeline reference for scband-hierarchical-embedding-34196529610998 (READ-ONLY COPY).

The authoritative reference and input builder live on the scoring server;
editing this copy changes nothing except your own understanding.
"""

import jax, jax.numpy as jnp
import numpy as np

NUM_CODES = 100000
NUM_LEVELS = 4
EMB_DIM = 32
BATCH = 16384

def setup_inputs(seed: int = 0) -> dict:
    key = jax.random.key(seed)
    k_idx, *k_tabs = jax.random.split(key, 1 + NUM_LEVELS)
    inp = {}
    inp['code_ids'] = jax.random.randint(k_idx, (BATCH,), 0, NUM_CODES, dtype=jnp.int64 if jax.config.jax_enable_x64 else jnp.int32)
    for i in range(NUM_LEVELS):
        inp[f'W{i}'] = jax.random.normal(k_tabs[i], (NUM_CODES, EMB_DIM), dtype=jnp.float32)
    return inp


def reference(code_ids, W0, W1, W2, W3):
    tables = [W0, W1, W2, W3]
    embs = [jnp.take(W, code_ids, axis=0) for W in tables]
    return jnp.concatenate(embs, axis=-1)

if __name__ == "__main__":
    import jax
    _d = setup_inputs()
    print(jax.jit(kernel)(*tuple(_d.values())))

</pallas_src>

<mosaic_0001>
#map = affine_map<(d0, d1) -> (0)>
#map1 = affine_map<(d0, d1) -> (0, 0)>
module attributes {stable_mosaic.version = 14 : i64} {
  func.func @sc_gather(%arg0: i32, %arg1: i32, %arg2: memref<16384xi32, #tpu.memory_space<hbm>>, %arg3: memref<100000x128xf32, #tpu.memory_space<hbm>>, %arg4: memref<16384x128xf32, #tpu.memory_space<hbm>>, %arg5: memref<128xi32, #tpu.memory_space<vmem>>, %arg6: memref<128xi32, #tpu.memory_space<vmem>>, %arg7: memref<128xi32, #tpu.memory_space<vmem>>, %arg8: memref<128xi32, #tpu.memory_space<vmem>>, %arg9: memref<128x128xf32, #tpu.memory_space<vmem>>, %arg10: memref<128x128xf32, #tpu.memory_space<vmem>>, %arg11: memref<128x128xf32, #tpu.memory_space<vmem>>, %arg12: memref<128x128xf32, #tpu.memory_space<vmem>>, %arg13: memref<!tpu.dma_semaphore, #tpu.memory_space<semaphore_mem>>, %arg14: memref<!tpu.dma_semaphore, #tpu.memory_space<semaphore_mem>>) attributes {dimension_semantics = [#tpu.dimension_semantics<core_parallel>, #tpu.dimension_semantics<subcore_parallel>], iteration_bounds = array<i64: 2, 16>, scalar_prefetch = 0 : i64, scratch_operands = 10 : i64, tpu.core_type = #tpu.core_type<sc_vector_subcore>, window_params = [{transform_indices = #map}, {transform_indices = #map1}, {transform_indices = #map1}]} {
    %mul3A = arith.constant 2 : i32
    %mul3A_0 = arith.muli %arg1, %mul3A : i32
    %add3A = arith.addi %mul3A_0, %arg0 : i32
    %mul3A_1 = arith.constant 512 : i32
    %mul3A_2 = arith.muli %add3A, %mul3A_1 : i32
    %add3A_3 = arith.constant 0 : i32
    %add3A_4 = arith.addi %mul3A_2, %add3A_3 : i32
    "tpu.region"() ({
      %run_scoped3A = tpu.sem_alloc : memref<!tpu.dma_semaphore, #tpu.memory_space<semaphore_mem>>
      %dma_start3A_73 = tpu.memref_slice %arg2[%add3A_4] : memref<16384xi32, #tpu.memory_space<hbm>> -> memref<128xi32, #tpu.memory_space<hbm>>
      %dma_start3A_74 = tpu.memref_slice %arg2[%add3A_4] : memref<16384xi32, #tpu.memory_space<hbm>> -> memref<128xi32, #tpu.memory_space<hbm>>
      tpu.enqueue_dma source(%dma_start3A_74 : memref<128xi32, #tpu.memory_space<hbm>>) target(%arg5 : memref<128xi32, #tpu.memory_space<vmem>>) target_semaphore(%run_scoped3A : memref<!tpu.dma_semaphore, #tpu.memory_space<semaphore_mem>>)
      %dma_wait3A_75 = tpu.memref_slice %arg2[%add3A_4] : memref<16384xi32, #tpu.memory_space<hbm>> -> memref<128xi32, #tpu.memory_space<hbm>>
      %dma_wait3A_76 = tpu.memref_slice %arg2[%add3A_4] : memref<16384xi32, #tpu.memory_space<hbm>> -> memref<128xi32, #tpu.memory_space<hbm>>
      tpu.wait_dma2 semaphore(%run_scoped3A : memref<!tpu.dma_semaphore, #tpu.memory_space<semaphore_mem>>) src(%dma_wait3A_76 : memref<128xi32, #tpu.memory_space<hbm>>) dst(%arg5 : memref<128xi32, #tpu.memory_space<vmem>>)
      tpu.yield
    }) : () -> ()
    %add3A_5 = arith.constant 128 : i32
    %add3A_6 = arith.addi %mul3A_2, %add3A_5 : i32
    "tpu.region"() ({
      %run_scoped3A = tpu.sem_alloc : memref<!tpu.dma_semaphore, #tpu.memory_space<semaphore_mem>>
      %dma_start3A_73 = tpu.memref_slice %arg2[%add3A_6] : memref<16384xi32, #tpu.memory_space<hbm>> -> memref<128xi32, #tpu.memory_space<hbm>>
      %dma_start3A_74 = tpu.memref_slice %arg2[%add3A_6] : memref<16384xi32, #tpu.memory_space<hbm>> -> memref<128xi32, #tpu.memory_space<hbm>>
      tpu.enqueue_dma source(%dma_start3A_74 : memref<128xi32, #tpu.memory_space<hbm>>) target(%arg6 : memref<128xi32, #tpu.memory_space<vmem>>) target_semaphore(%run_scoped3A : memref<!tpu.dma_semaphore, #tpu.memory_space<semaphore_mem>>)
      %dma_wait3A_75 = tpu.memref_slice %arg2[%add3A_6] : memref<16384xi32, #tpu.memory_space<hbm>> -> memref<128xi32, #tpu.memory_space<hbm>>
      %dma_wait3A_76 = tpu.memref_slice %arg2[%add3A_6] : memref<16384xi32, #tpu.memory_space<hbm>> -> memref<128xi32, #tpu.memory_space<hbm>>
      tpu.wait_dma2 semaphore(%run_scoped3A : memref<!tpu.dma_semaphore, #tpu.memory_space<semaphore_mem>>) src(%dma_wait3A_76 : memref<128xi32, #tpu.memory_space<hbm>>) dst(%arg6 : memref<128xi32, #tpu.memory_space<vmem>>)
      tpu.yield
    }) : () -> ()
    %add3A_7 = arith.constant 256 : i32
    %add3A_8 = arith.addi %mul3A_2, %add3A_7 : i32
    "tpu.region"() ({
      %run_scoped3A = tpu.sem_alloc : memref<!tpu.dma_semaphore, #tpu.memory_space<semaphore_mem>>
      %dma_start3A_73 = tpu.memref_slice %arg2[%add3A_8] : memref<16384xi32, #tpu.memory_space<hbm>> -> memref<128xi32, #tpu.memory_space<hbm>>
      %dma_start3A_74 = tpu.memref_slice %arg2[%add3A_8] : memref<16384xi32, #tpu.memory_space<hbm>> -> memref<128xi32, #tpu.memory_space<hbm>>
      tpu.enqueue_dma source(%dma_start3A_74 : memref<128xi32, #tpu.memory_space<hbm>>) target(%arg7 : memref<128xi32, #tpu.memory_space<vmem>>) target_semaphore(%run_scoped3A : memref<!tpu.dma_semaphore, #tpu.memory_space<semaphore_mem>>)
      %dma_wait3A_75 = tpu.memref_slice %arg2[%add3A_8] : memref<16384xi32, #tpu.memory_space<hbm>> -> memref<128xi32, #tpu.memory_space<hbm>>
      %dma_wait3A_76 = tpu.memref_slice %arg2[%add3A_8] : memref<16384xi32, #tpu.memory_space<hbm>> -> memref<128xi32, #tpu.memory_space<hbm>>
      tpu.wait_dma2 semaphore(%run_scoped3A : memref<!tpu.dma_semaphore, #tpu.memory_space<semaphore_mem>>) src(%dma_wait3A_76 : memref<128xi32, #tpu.memory_space<hbm>>) dst(%arg7 : memref<128xi32, #tpu.memory_space<vmem>>)
      tpu.yield
    }) : () -> ()
    %add3A_9 = arith.constant 384 : i32
    %add3A_10 = arith.addi %mul3A_2, %add3A_9 : i32
    "tpu.region"() ({
      %run_scoped3A = tpu.sem_alloc : memref<!tpu.dma_semaphore, #tpu.memory_space<semaphore_mem>>
      %dma_start3A_73 = tpu.memref_slice %arg2[%add3A_10] : memref<16384xi32, #tpu.memory_space<hbm>> -> memref<128xi32, #tpu.memory_space<hbm>>
      %dma_start3A_74 = tpu.memref_slice %arg2[%add3A_10] : memref<16384xi32, #tpu.memory_space<hbm>> -> memref<128xi32, #tpu.memory_space<hbm>>
      tpu.enqueue_dma source(%dma_start3A_74 : memref<128xi32, #tpu.memory_space<hbm>>) target(%arg8 : memref<128xi32, #tpu.memory_space<vmem>>) target_semaphore(%run_scoped3A : memref<!tpu.dma_semaphore, #tpu.memory_space<semaphore_mem>>)
      %dma_wait3A_75 = tpu.memref_slice %arg2[%add3A_10] : memref<16384xi32, #tpu.memory_space<hbm>> -> memref<128xi32, #tpu.memory_space<hbm>>
      %dma_wait3A_76 = tpu.memref_slice %arg2[%add3A_10] : memref<16384xi32, #tpu.memory_space<hbm>> -> memref<128xi32, #tpu.memory_space<hbm>>
      tpu.wait_dma2 semaphore(%run_scoped3A : memref<!tpu.dma_semaphore, #tpu.memory_space<semaphore_mem>>) src(%dma_wait3A_76 : memref<128xi32, #tpu.memory_space<hbm>>) dst(%arg8 : memref<128xi32, #tpu.memory_space<vmem>>)
      tpu.yield
    }) : () -> ()
    %dma_start3A = arith.constant 0 : i32
    %dma_start3A_11 = arith.constant 0 : i32
    %dma_start3A_12 = tpu.memref_slice %arg3[%dma_start3A, %dma_start3A_11] : memref<100000x128xf32, #tpu.memory_space<hbm>> -> memref<100000x128xf32, #tpu.memory_space<hbm>>
    tpu.enqueue_indirect_dma source(%dma_start3A_12 : memref<100000x128xf32, #tpu.memory_space<hbm>>) target(%arg9 : memref<128x128xf32, #tpu.memory_space<vmem>>) offsets(%arg5 : memref<128xi32, #tpu.memory_space<vmem>>) semaphore(%arg13 : memref<!tpu.dma_semaphore, #tpu.memory_space<semaphore_mem>>)
    %dma_start3A_13 = arith.constant 0 : i32
    %dma_start3A_14 = arith.constant 0 : i32
    %dma_start3A_15 = tpu.memref_slice %arg3[%dma_start3A_13, %dma_start3A_14] : memref<100000x128xf32, #tpu.memory_space<hbm>> -> memref<100000x128xf32, #tpu.memory_space<hbm>>
    tpu.enqueue_indirect_dma source(%dma_start3A_15 : memref<100000x128xf32, #tpu.memory_space<hbm>>) target(%arg10 : memref<128x128xf32, #tpu.memory_space<vmem>>) offsets(%arg6 : memref<128xi32, #tpu.memory_space<vmem>>) semaphore(%arg13 : memref<!tpu.dma_semaphore, #tpu.memory_space<semaphore_mem>>)
    %dma_start3A_16 = arith.constant 0 : i32
    %dma_start3A_17 = arith.constant 0 : i32
    %dma_start3A_18 = tpu.memref_slice %arg3[%dma_start3A_16, %dma_start3A_17] : memref<100000x128xf32, #tpu.memory_space<hbm>> -> memref<100000x128xf32, #tpu.memory_space<hbm>>
    tpu.enqueue_indirect_dma source(%dma_start3A_18 : memref<100000x128xf32, #tpu.memory_space<hbm>>) target(%arg11 : memref<128x128xf32, #tpu.memory_space<vmem>>) offsets(%arg7 : memref<128xi32, #tpu.memory_space<vmem>>) semaphore(%arg13 : memref<!tpu.dma_semaphore, #tpu.memory_space<semaphore_mem>>)
    %dma_start3A_19 = arith.constant 0 : i32
    %dma_start3A_20 = arith.constant 0 : i32
    %dma_start3A_21 = tpu.memref_slice %arg3[%dma_start3A_19, %dma_start3A_20] : memref<100000x128xf32, #tpu.memory_space<hbm>> -> memref<100000x128xf32, #tpu.memory_space<hbm>>
    tpu.enqueue_indirect_dma source(%dma_start3A_21 : memref<100000x128xf32, #tpu.memory_space<hbm>>) target(%arg12 : memref<128x128xf32, #tpu.memory_space<vmem>>) offsets(%arg8 : memref<128xi32, #tpu.memory_space<vmem>>) semaphore(%arg13 : memref<!tpu.dma_semaphore, #tpu.memory_space<semaphore_mem>>)
    %dma_wait3A = arith.constant 0 : i32
    %dma_wait3A_22 = arith.constant 0 : i32
    %dma_wait3A_23 = tpu.memref_slice %arg3[%dma_wait3A, %dma_wait3A_22] : memref<100000x128xf32, #tpu.memory_space<hbm>> -> memref<100000x128xf32, #tpu.memory_space<hbm>>
    tpu.wait_indirect_dma semaphore(%arg13 : memref<!tpu.dma_semaphore, #tpu.memory_space<semaphore_mem>>) src(%dma_wait3A_23 : memref<100000x128xf32, #tpu.memory_space<hbm>>) dst(%arg9 : memref<128x128xf32, #tpu.memory_space<vmem>>)
    %dma_wait3A_24 = arith.constant 0 : i32
    %dma_wait3A_25 = arith.constant 0 : i32
    %dma_wait3A_26 = tpu.memref_slice %arg3[%dma_wait3A_24, %dma_wait3A_25] : memref<100000x128xf32, #tpu.memory_space<hbm>> -> memref<100000x128xf32, #tpu.memory_space<hbm>>
    tpu.wait_indirect_dma semaphore(%arg13 : memref<!tpu.dma_semaphore, #tpu.memory_space<semaphore_mem>>) src(%dma_wait3A_26 : memref<100000x128xf32, #tpu.memory_space<hbm>>) dst(%arg10 : memref<128x128xf32, #tpu.memory_space<vmem>>)
    %dma_wait3A_27 = arith.constant 0 : i32
    %dma_wait3A_28 = arith.constant 0 : i32
    %dma_wait3A_29 = tpu.memref_slice %arg3[%dma_wait3A_27, %dma_wait3A_28] : memref<100000x128xf32, #tpu.memory_space<hbm>> -> memref<100000x128xf32, #tpu.memory_space<hbm>>
    tpu.wait_indirect_dma semaphore(%arg13 : memref<!tpu.dma_semaphore, #tpu.memory_space<semaphore_mem>>) src(%dma_wait3A_29 : memref<100000x128xf32, #tpu.memory_space<hbm>>) dst(%arg11 : memref<128x128xf32, #tpu.memory_space<vmem>>)
    %dma_wait3A_30 = arith.constant 0 : i32
    %dma_wait3A_31 = arith.constant 0 : i32
    %dma_wait3A_32 = tpu.memref_slice %arg3[%dma_wait3A_30, %dma_wait3A_31] : memref<100000x128xf32, #tpu.memory_space<hbm>> -> memref<100000x128xf32, #tpu.memory_space<hbm>>
    tpu.wait_indirect_dma semaphore(%arg13 : memref<!tpu.dma_semaphore, #tpu.memory_space<semaphore_mem>>) src(%dma_wait3A_32 : memref<100000x128xf32, #tpu.memory_space<hbm>>) dst(%arg12 : memref<128x128xf32, #tpu.memory_space<vmem>>)
    %add3A_33 = arith.constant 0 : i32
    %add3A_34 = arith.addi %mul3A_2, %add3A_33 : i32
    %dma_start3A_35 = arith.constant 0 : i32
    %dma_start3A_36 = tpu.memref_slice %arg4[%add3A_34, %dma_start3A_35] : memref<16384x128xf32, #tpu.memory_space<hbm>> -> memref<128x128xf32, #tpu.memory_space<hbm>>
    %dma_start3A_37 = arith.constant 0 : i32
    %dma_start3A_38 = tpu.memref_slice %arg4[%add3A_34, %dma_start3A_37] : memref<16384x128xf32, #tpu.memory_space<hbm>> -> memref<128x128xf32, #tpu.memory_space<hbm>>
    tpu.enqueue_dma source(%arg9 : memref<128x128xf32, #tpu.memory_space<vmem>>) target(%dma_start3A_38 : memref<128x128xf32, #tpu.memory_space<hbm>>) target_semaphore(%arg14 : memref<!tpu.dma_semaphore, #tpu.memory_space<semaphore_mem>>)
    %add3A_39 = arith.constant 128 : i32
    %add3A_40 = arith.addi %mul3A_2, %add3A_39 : i32
    %dma_start3A_41 = arith.constant 0 : i32
    %dma_start3A_42 = tpu.memref_slice %arg4[%add3A_40, %dma_start3A_41] : memref<16384x128xf32, #tpu.memory_space<hbm>> -> memref<128x128xf32, #tpu.memory_space<hbm>>
    %dma_start3A_43 = arith.constant 0 : i32
    %dma_start3A_44 = tpu.memref_slice %arg4[%add3A_40, %dma_start3A_43] : memref<16384x128xf32, #tpu.memory_space<hbm>> -> memref<128x128xf32, #tpu.memory_space<hbm>>
    tpu.enqueue_dma source(%arg10 : memref<128x128xf32, #tpu.memory_space<vmem>>) target(%dma_start3A_44 : memref<128x128xf32, #tpu.memory_space<hbm>>) target_semaphore(%arg14 : memref<!tpu.dma_semaphore, #tpu.memory_space<semaphore_mem>>)
    %add3A_45 = arith.constant 256 : i32
    %add3A_46 = arith.addi %mul3A_2, %add3A_45 : i32
    %dma_start3A_47 = arith.constant 0 : i32
    %dma_start3A_48 = tpu.memref_slice %arg4[%add3A_46, %dma_start3A_47] : memref<16384x128xf32, #tpu.memory_space<hbm>> -> memref<128x128xf32, #tpu.memory_space<hbm>>
    %dma_start3A_49 = arith.constant 0 : i32
    %dma_start3A_50 = tpu.memref_slice %arg4[%add3A_46, %dma_start3A_49] : memref<16384x128xf32, #tpu.memory_space<hbm>> -> memref<128x128xf32, #tpu.memory_space<hbm>>
    tpu.enqueue_dma source(%arg11 : memref<128x128xf32, #tpu.memory_space<vmem>>) target(%dma_start3A_50 : memref<128x128xf32, #tpu.memory_space<hbm>>) target_semaphore(%arg14 : memref<!tpu.dma_semaphore, #tpu.memory_space<semaphore_mem>>)
    %add3A_51 = arith.constant 384 : i32
    %add3A_52 = arith.addi %mul3A_2, %add3A_51 : i32
    %dma_start3A_53 = arith.constant 0 : i32
    %dma_start3A_54 = tpu.memref_slice %arg4[%add3A_52, %dma_start3A_53] : memref<16384x128xf32, #tpu.memory_space<hbm>> -> memref<128x128xf32, #tpu.memory_space<hbm>>
    %dma_start3A_55 = arith.constant 0 : i32
    %dma_start3A_56 = tpu.memref_slice %arg4[%add3A_52, %dma_start3A_55] : memref<16384x128xf32, #tpu.memory_space<hbm>> -> memref<128x128xf32, #tpu.memory_space<hbm>>
    tpu.enqueue_dma source(%arg12 : memref<128x128xf32, #tpu.memory_space<vmem>>) target(%dma_start3A_56 : memref<128x128xf32, #tpu.memory_space<hbm>>) target_semaphore(%arg14 : memref<!tpu.dma_semaphore, #tpu.memory_space<semaphore_mem>>)
    %dma_wait3A_57 = arith.constant 0 : i32
    %dma_wait3A_58 = tpu.memref_slice %arg4[%add3A_34, %dma_wait3A_57] : memref<16384x128xf32, #tpu.memory_space<hbm>> -> memref<128x128xf32, #tpu.memory_space<hbm>>
    %dma_wait3A_59 = arith.constant 0 : i32
    %dma_wait3A_60 = tpu.memref_slice %arg4[%add3A_34, %dma_wait3A_59] : memref<16384x128xf32, #tpu.memory_space<hbm>> -> memref<128x128xf32, #tpu.memory_space<hbm>>
    tpu.wait_dma2 semaphore(%arg14 : memref<!tpu.dma_semaphore, #tpu.memory_space<semaphore_mem>>) src(%arg9 : memref<128x128xf32, #tpu.memory_space<vmem>>) dst(%dma_wait3A_60 : memref<128x128xf32, #tpu.memory_space<hbm>>)
    %dma_wait3A_61 = arith.constant 0 : i32
    %dma_wait3A_62 = tpu.memref_slice %arg4[%add3A_40, %dma_wait3A_61] : memref<16384x128xf32, #tpu.memory_space<hbm>> -> memref<128x128xf32, #tpu.memory_space<hbm>>
    %dma_wait3A_63 = arith.constant 0 : i32
    %dma_wait3A_64 = tpu.memref_slice %arg4[%add3A_40, %dma_wait3A_63] : memref<16384x128xf32, #tpu.memory_space<hbm>> -> memref<128x128xf32, #tpu.memory_space<hbm>>
    tpu.wait_dma2 semaphore(%arg14 : memref<!tpu.dma_semaphore, #tpu.memory_space<semaphore_mem>>) src(%arg10 : memref<128x128xf32, #tpu.memory_space<vmem>>) dst(%dma_wait3A_64 : memref<128x128xf32, #tpu.memory_space<hbm>>)
    %dma_wait3A_65 = arith.constant 0 : i32
    %dma_wait3A_66 = tpu.memref_slice %arg4[%add3A_46, %dma_wait3A_65] : memref<16384x128xf32, #tpu.memory_space<hbm>> -> memref<128x128xf32, #tpu.memory_space<hbm>>
    %dma_wait3A_67 = arith.constant 0 : i32
    %dma_wait3A_68 = tpu.memref_slice %arg4[%add3A_46, %dma_wait3A_67] : memref<16384x128xf32, #tpu.memory_space<hbm>> -> memref<128x128xf32, #tpu.memory_space<hbm>>
    tpu.wait_dma2 semaphore(%arg14 : memref<!tpu.dma_semaphore, #tpu.memory_space<semaphore_mem>>) src(%arg11 : memref<128x128xf32, #tpu.memory_space<vmem>>) dst(%dma_wait3A_68 : memref<128x128xf32, #tpu.memory_space<hbm>>)
    %dma_wait3A_69 = arith.constant 0 : i32
    %dma_wait3A_70 = tpu.memref_slice %arg4[%add3A_52, %dma_wait3A_69] : memref<16384x128xf32, #tpu.memory_space<hbm>> -> memref<128x128xf32, #tpu.memory_space<hbm>>
    %dma_wait3A_71 = arith.constant 0 : i32
    %dma_wait3A_72 = tpu.memref_slice %arg4[%add3A_52, %dma_wait3A_71] : memref<16384x128xf32, #tpu.memory_space<hbm>> -> memref<128x128xf32, #tpu.memory_space<hbm>>
    tpu.wait_dma2 semaphore(%arg14 : memref<!tpu.dma_semaphore, #tpu.memory_space<semaphore_mem>>) src(%arg12 : memref<128x128xf32, #tpu.memory_space<vmem>>) dst(%dma_wait3A_72 : memref<128x128xf32, #tpu.memory_space<hbm>>)
    return
  }
}

module attributes {stable_mosaic.version = 14 : i64} {
  func.func @body(%arg0: i32, %arg1: memref<32x1024xf32, #tpu.memory_space<vmem>>, %arg2: memref<32x1024xf32, #tpu.memory_space<vmem>>, %arg3: memref<32x1024xf32, #tpu.memory_space<vmem>>, %arg4: memref<32x1024xf32, #tpu.memory_space<vmem>>, %arg5: memref<1024x128xf32, #tpu.memory_space<vmem>>) attributes {dimension_semantics = [#tpu.dimension_semantics<arbitrary>], iteration_bounds = array<i64: 98>, scalar_prefetch = 0 : i64, scratch_operands = 0 : i64, tpu.core_type = #tpu.core_type<tc>, window_params = [{transform_indices = @transform_0, window_bounds = array<i64: 32, 1024>}, {transform_indices = @transform_1, window_bounds = array<i64: 32, 1024>}, {transform_indices = @transform_2, window_bounds = array<i64: 32, 1024>}, {transform_indices = @transform_3, window_bounds = array<i64: 32, 1024>}, {transform_indices = @transform_4, window_bounds = array<i64: 1024, 128>}]} {
    %get3A = arith.constant 0 : index
    %get3A_0 = arith.constant 0 : index
    %get3A_1 = vector.load %arg1[%get3A, %get3A_0] : memref<32x1024xf32, #tpu.memory_space<vmem>>, vector<32x1024xf32>
    %get3A_2 = arith.constant 0 : index
    %get3A_3 = arith.constant 0 : index
    %get3A_4 = vector.load %arg2[%get3A_2, %get3A_3] : memref<32x1024xf32, #tpu.memory_space<vmem>>, vector<32x1024xf32>
    %get3A_5 = arith.constant 0 : index
    %get3A_6 = arith.constant 0 : index
    %get3A_7 = vector.load %arg3[%get3A_5, %get3A_6] : memref<32x1024xf32, #tpu.memory_space<vmem>>, vector<32x1024xf32>
    %get3A_8 = arith.constant 0 : index
    %get3A_9 = arith.constant 0 : index
    %get3A_10 = vector.load %arg4[%get3A_8, %get3A_9] : memref<32x1024xf32, #tpu.memory_space<vmem>>, vector<32x1024xf32>
    %concatenate3A = tpu.concatenate %get3A_1, %get3A_4, %get3A_7, %get3A_10 in 0 : vector<32x1024xf32>, vector<32x1024xf32>, vector<32x1024xf32>, vector<32x1024xf32> -> vector<128x1024xf32>
    %transpose3A = tpu.transpose %concatenate3A, [1, 0] : vector<128x1024xf32> -> vector<1024x128xf32>
    %swap3A = arith.constant 0 : index
    %swap3A_11 = arith.constant 0 : index
    %swap3A_12 = vector.load %arg5[%swap3A, %swap3A_11] : memref<1024x128xf32, #tpu.memory_space<vmem>>, vector<1024x128xf32>
    tpu.vector_store %arg5[%swap3A, %swap3A_11], %transpose3A {strides = array<i32>} : memref<1024x128xf32, #tpu.memory_space<vmem>>, vector<1024x128xf32>,
    return
  }
  func.func @transform_0(%arg0: i32) -> (i32, i32) {
    %c0_i32 = arith.constant 0 : i32
    %c0_i32_0 = arith.constant 0 : i32
    return %c0_i32, %arg0 : i32, i32
  }
  func.func @transform_1(%arg0: i32) -> (i32, i32) {
    %c0_i32 = arith.constant 0 : i32
    %c0_i32_0 = arith.constant 0 : i32
    return %c0_i32, %arg0 : i32, i32
  }
  func.func @transform_2(%arg0: i32) -> (i32, i32) {
    %c0_i32 = arith.constant 0 : i32
    %c0_i32_0 = arith.constant 0 : i32
    return %c0_i32, %arg0 : i32, i32
  }
  func.func @transform_3(%arg0: i32) -> (i32, i32) {
    %c0_i32 = arith.constant 0 : i32
    %c0_i32_0 = arith.constant 0 : i32
    return %c0_i32, %arg0 : i32, i32
  }
  func.func @transform_4(%arg0: i32) -> (i32, i32) {
    %c0_i32 = arith.constant 0 : i32
    %c0_i32_0 = arith.constant 0 : i32
    return %arg0, %c0_i32 : i32, i32
  }
}

</mosaic_0001>

<sc_bundles>
// kernel: kernel.4.cloned.1.call-start
scs
__scs_entry_jumppad:
0x0: {  	(pc) =	sbr.rel $0x88, $3  }
0x1: {  	(tag) =	ssettag $0x0;
	lr =	simm.s32 $0x1  }
0x2: {  	[smem:$0x3F9C] =	sst lr;
	_ =	strace $0xD0000000  }
0x3: {  	_ = 	snop  }
0x4: {  	_ = 	snop  }
0x5: {  	_ = 	snop  }
0x6: {  	_ = 	snop  }
0x7: {  	_ = 	snop  }
__scs_overlays_trampoline_lowered:
0x8: {  	[smem:$0x3FAB] =	sst s0  }
0x9: {  	[smem:$0x3FAC] =	sst s1  }
0xa: {  	[smem:$0x3FAD] =	sst s2  }
0xb: {  	[smem:$0x3FAE] =	sst s3  }
0xc: {  	[smem:$0x3FAF] =	sst s4  }
0xd: {  	[smem:$0x3FB0] =	sst s5  }
0xe: {  	[smem:$0x3FB1] =	sst s6  }
0xf: {  	[smem:$0x3FB2] =	sst s7  }
0x10: {  	[smem:$0x3FB3] =	sst s8  }
0x11: {  	[smem:$0x3FB4] =	sst s9;
	s0 =	simm.s32 @!p0 $0x0  }
0x12: {  	s1 =	sld [smem:$0x3F9A];
	s0 =	simm.s32 @p0 $0x1  }
0x13: {  	[smem:$0x3FB5] =	sst s0;
	s0 =	simm.s32 @!p1 $0x0  }
0x14: {  	s2 =	sld [smem:$0x3F99];
	s0 =	simm.s32 @p1 $0x1  }
0x15: {  	[smem:$0x3FB6] =	sst s0;
	s0 =	simm.s32 @!p2 $0x0  }
0x16: {  	s3 =	sld [smem:$0x3FDB];
	s0 =	simm.s32 @p2 $0x1  }
0x17: {  	s4 =	simm.s32 $0x1BF5;
	[smem:$0x3FB8] =	sst s0  }
0x18: {  	s0 =	sld [smem:$0x3F9B];
	_ =	swait.ge [sflag:s4], $0x0  }
0x19: {  	s7 =	sld [smem:$0x3F9C]  }
0x1a: {  	s8 =	sadd.s32 $0xFFFFE003, lr  }
0x1b: {  	s9 =	sadd.s32 $0xFFFFFEF7, lr;
	s5 =	simm.s32 $0xFFFFFFFF;
	p2 =	slt.u32 s8, $0xFFFFF086  }
0x1c: {  	p1 =	slt.u32 s9, $0xF7A;
	s5 =	simm.s32 @!p2 $0x0  }
0x1d: {  	s5 =	simm.s32 @p1 $0x1;
	p0 =	seq.s32 s7, s2  }
0x1e: {  	s7 =	smul.u32 @!p0 $0xF7A, s2;
	p2 =	seq.s32 @!p0 s5, $0x0  }
0x1f: {  	s9 =	smul.u32 $0xF7A, s1;
	s8 =	simm.s32 @!p0 $0x1BF5;
	p2 =	por !p2, p0  }
0x20: {  	[sflag:s8] =	ssyncset.s32 @!p0 $0xFFFFF086;
	s6 =	sadd.s32 @!p0 s3, s7;
	s7 =	simm.s32 @!p0 $0x108  }
0x21: {  	s3 =	sadd.s32 s3, s9;
	s6 =	sadd.s32 @!p0 $0x88, s6;
	s7 =	simm.s32 @p2 $0x1082  }
0x22: {  	[simem:s7], [sflag:s8] =	dma.local @!p0 [hbm:s6], $0xF7A  }
0x23: {  	s9 =	sor.u32 $0xD0000000, s2;
	s6 =	simm.s32 $0x108;
	_ =	swait.ge @!p0 [sflag:s8], $0x0  }
0x24: {  	s3 =	sadd.s32 $0x88, s3;
	s6 =	simm.s32 @!p1 $0x1082;
	[sflag:s4] =	ssyncset.s32 $0xFFFFF086  }
0x25: {  	[simem:s6], [sflag:s4] =	dma.local [hbm:s3], $0xF7A  }
0x26: {  	[smem:$0x3F9C] =	sst s1;
	(tag) =	ssettag s2;
	_ =	strace s9  }
0x27: {  	s1 =	sld [smem:$0x3FAC]  }
0x28: {  	s2 =	sld [smem:$0x3FAD]  }
0x29: {  	s4 =	sld [smem:$0x3FAF]  }
0x2a: {  	p0 =	seq.s32 s5, $0x0;
	s5 =	sld [smem:$0x3FB0]  }
0x2b: {  	s6 =	sld [smem:$0x3FB1]  }
0x2c: {  	s7 =	sld [smem:$0x3FB2]  }
0x2d: {  	s3 =	simm.s32 $0x108;
	s8 =	sld [smem:$0x3FB3]  }
0x2e: {  	s3 =	simm.s32 @!p0 $0x1082;
	s9 =	sld [smem:$0x3FB4]  }
0x2f: {  	lr =	sadd.s32 s0, s3;
	s0 =	sld [smem:$0x3FAB]  }
0x30: {  	s3 =	sld [smem:$0x3FAE]  }
0x31: {  	[smem:$0x3FB7] =	sst s10  }
0x32: {  	s10 =	sld [smem:$0x3FB5];
	_ =	sdelay $0x3  }
0x33: {  	p0 =	seq.s32 s10, $0x1;
	s10 =	sld [smem:$0x3FB7];
	_ =	sdelay $0x3  }
0x34: {  	[smem:$0x3FB7] =	sst s10  }
0x35: {  	s10 =	sld [smem:$0x3FB6];
	_ =	sdelay $0x3  }
0x36: {  	p1 =	seq.s32 s10, $0x1;
	s10 =	sld [smem:$0x3FB7];
	_ =	sdelay $0x3  }
0x37: {  	[smem:$0x3FB7] =	sst s10  }
0x38: {  	s10 =	sld [smem:$0x3FB8]  }
0x39: {  	_ = 	snop;
	(pc) =	sbr.ind lr, $3  }
0x3a: {  	_ = 	snop  }
0x3b: {  	_ = 	snop  }
0x3c: {  	p2 =	seq.s32 s10, $0x1;
	s10 =	sld [smem:$0x3FB7]  }
0x3d: {  	_ =	shalt  }
0x3e: {  	_ =	shalt  }
0x3f: {  	_ =	shalt  }
0x40: {  	_ =	shalt  }
0x41: {  	_ =	shalt  }
0x42: {  	_ =	shalt  }
0x43: {  	_ =	shalt  }
0x44: {  	_ =	shalt  }
0x45: {  	_ =	shalt  }
0x46: {  	_ =	shalt  }
0x47: {  	_ =	shalt  }
0x48: {  	_ =	shalt  }
0x49: {  	_ =	shalt  }
0x4a: {  	_ =	shalt  }
0x4b: {  	_ =	shalt  }
0x4c: {  	_ =	shalt  }
0x4d: {  	_ =	shalt  }
0x4e: {  	_ =	shalt  }
0x4f: {  	_ =	shalt  }
0x50: {  	_ =	shalt  }
0x51: {  	_ =	shalt  }
0x52: {  	_ =	shalt  }
0x53: {  	_ =	shalt  }
0x54: {  	_ =	shalt  }
0x55: {  	_ =	shalt  }
0x56: {  	_ =	shalt  }
0x57: {  	_ =	shalt  }
0x58: {  	_ =	shalt  }
0x59: {  	_ =	shalt  }
0x5a: {  	_ =	shalt  }
0x5b: {  	_ =	shalt  }
0x5c: {  	_ =	shalt  }
0x5d: {  	_ =	shalt  }
0x5e: {  	_ =	shalt  }
0x5f: {  	_ =	shalt  }
0x60: {  	_ =	shalt  }
0x61: {  	_ =	shalt  }
0x62: {  	_ =	shalt  }
0x63: {  	_ =	shalt  }
0x64: {  	_ =	shalt  }
0x65: {  	_ =	shalt  }
0x66: {  	_ =	shalt  }
0x67: {  	_ =	shalt  }
0x68: {  	_ =	shalt  }
0x69: {  	_ =	shalt  }
0x6a: {  	_ =	shalt  }
0x6b: {  	_ =	shalt  }
0x6c: {  	_ =	shalt  }
0x6d: {  	_ =	shalt  }
0x6e: {  	_ =	shalt  }
0x6f: {  	_ =	shalt  }
0x70: {  	_ =	shalt  }
0x71: {  	_ =	shalt  }
0x72: {  	_ =	shalt  }
0x73: {  	_ =	shalt  }
0x74: {  	_ =	shalt  }
0x75: {  	_ =	shalt  }
0x76: {  	_ =	shalt  }
0x77: {  	_ =	shalt  }
0x78: {  	_ =	shalt  }
0x79: {  	_ =	shalt  }
0x7a: {  	_ =	shalt  }
0x7b: {  	_ =	shalt  }
0x7c: {  	_ =	shalt  }
0x7d: {  	_ =	shalt  }
0x7e: {  	_ =	shalt  }
0x7f: {  	_ =	shalt  }
0x80: {  	_ =	shalt  }
0x81: {  	_ =	shalt  }
0x82: {  	_ =	shalt  }
0x83: {  	_ =	shalt  }
0x84: {  	_ =	shalt  }
0x85: {  	_ =	shalt  }
0x86: {  	_ =	shalt  }
0x87: {  	_ =	shalt  }
.Lfunc_end0:
.L_simem_size_0:
called_computation_lowered:
.L_overlay_start_0:
0x88: {  	s2 =	sld [smem:$0x3FD9]  }
0x89: {  	s3 =	sld [smem:$0x3FFE];
	_ =	sdelay $0x1  }
0x8a: {  	s1 =	srdreg.scid  }
0x8b: {  	s0 =	sand.u32 $0x1, s1  }
0x8c: {  	s17 =	sshll.u32 s0, $0xA;
	s2 =	sadd.s32 s3, s2  }
0x8d: {  	s2 =	sadd.s32 s2, s17  }
0x8e: {  	[smem:$0x3FC3] =	sst s2  }
0x8f: {  	_ = 	snop  }
0x90: {  	s2 =	sld [smem:$0x3FC9]  }
0x91: {  	s18 =	sld [smem:$0x3FD0];
	(tm) =	ssettm $0x1  }
0x92: {  	s4 =	sld [smem:$0x3FFB];
	_ =	sdelay $0x3  }
0x93: {  	_ =	strace s4  }
0x94: {  	s4 =	sld [smem:$0x3FFC];
	_ =	sdelay $0x3  }
0x95: {  	_ =	strace s4  }
0x96: {  	s4 =	sld [smem:$0x3FFD];
	_ =	sdelay $0x3  }
0x97: {  	_ =	strace s4  }
0x98: {  	_ =	strace $0x8FFFFFFF  }
0x99: {  	s19 =	sld [smem:$0x3FDB];
	_ =	sdelay $0x1  }
0x9a: {  	s5 =	simm.s32 $_scs_section_size  }
0x9b: {  	s6 =	simm.s32 $_size__tile_overlayer_lowered;
	s7 =	simm.s32 $_tile_overlayer_lowered  }
0x9c: {  	s22 =	simm.s32 $0x1BFF;
	s21 =	sshll.u32 s7, $0x1;
	s4 =	sadd.s32 s5, s19  }
0x9d: {  	s8 =	simm.s32 $0x0;
	s20 =	sshll.u32 s6, $0x1;
	s6 =	sadd.s32 s21, s4  }
0x9e: {  	[timem:s8], [sflag:s22] =	dma.local [hbm:s6], s20  }
0x9f: {  	_ =	swait.ge [sflag:s22], s20  }
0xa0: {  	s5 =	ssub.s32 $0x0, s20;
	[sflag:s22] =	ssyncset.done $0x0  }
0xa1: {  	[sflag:s22] =	ssyncadd.s32 s5;
	_ =	sdelay $0x1  }
0xa2: {  	s23 =	simm.s32 $0x1B8B  }
0xa3: {  	_ =	swait.ge [sflag:s23], $0x1  }
0xa4: {  	[sflag:s23] =	ssyncset.done $0x0  }
0xa5: {  	s25 =	simm.s32 $0x1B8E;
	s24 =	sld [smem:$0x3FFE];
	[sflag:s23] =	ssyncadd.s32 $0xFFFFFFFF  }
0xa6: {  	s26 =	simm.s32 $execute0_lowered;
	[smem:$0x3FD2] =	sst s25  }
0xa7: {  	s6 =	sshll.u32 s26, $0x1;
	_ =	strace $0x80000046;
	[dreg:$0x1] =	wrdreg $0xFFFFFFFF  }
0xa8: {  	s28 =	simm.s32 $_size_execute0_lowered;
	s4 =	sadd.s32 s4, s6;
	[dreg:$0x0] =	wrdreg $0x0  }
0xa9: {  	s6 =	sshll.u32 s28, $0x1;
	[dreg:$0x2] =	wrdreg s4  }
0xaa: {  	[dreg:$0x3] =	wrdreg s6  }
0xab: {  	[dreg:$0x4] =	wrdreg $0xC0  }
0xac: {  	_ =	task [dreg:s8], $0x5FFFF  }
0xad: {  	[dreg:$0x1] =	wrdreg $0xFFFFFFFF  }
0xae: {  	[dreg:$0x0] =	wrdreg $0x60  }
0xaf: {  	[dreg:$0x2] =	wrdreg s2  }
0xb0: {  	[dreg:$0x3] =	wrdreg s24  }
0xb1: {  	[dreg:$0x4] =	wrdreg s18  }
0xb2: {  	[dreg:$0x5] =	wrdreg $0x9  }
0xb3: {  	_ =	task.clear_ibuf [dreg:s8], $0x6FFFF;
	_ =	strace $0x90000046  }
0xb4: {  	s29 =	simm.s32 $0x9;
	_ =	strace $0x80000048  }
0xb5: {  	_ =	swait.ge [sflag:s29], $0x1  }
0xb6: {  	[sflag:s29] =	ssyncadd.s32 $0xFFFFFFFF  }
0xb7: {  	_ =	strace $0x90000048  }
0xb8: {  	_ =	sfence  }
0xb9: {  	s30 =	sld [smem:$0x0];
	_ =	sdelay $0x2  }
0xba: {  	s31 =	sshll.u32 s1, $0xD;
	s1 =	sshrl.u32 s1, $0x2  }
0xbb: {  	s3 =	sand.u32 $0x4000, s31;
	s1 =	sadd.s32 s1, s30  }
0xbc: {  	s0 =	sor.u32 s3, s0;
	s1 =	sshll.u32 s1, $0x11  }
0xbd: {  	s0 =	sor.u32 s1, s0  }
0xbe: {  	s0 =	sadd.s32 $0x8F2B, s0  }
0xbf: {  	[sflag:s0] =	ssyncadd.remote.s32 $0x1  }
0xc0: {  	_ =	sfence.sel $0xFFFF  }
0xc1: {  	[dreg:$0x0] =	wrdreg $0xFFFFFFFF;
	(pc) =	sbr.abs _section_cstart, $3  }
0xc2: {  	[dreg:$0x1] =	wrdreg $0xFFFFFFFF  }
0xc3: {  	_ =	task.clear_ibuf [dreg:s8], $0x2FFFF;
	_ =	strace $0x9FFFFFFF  }
0xc4: {  	(tm) =	ssettm $0x7FFFFFFF  }
0xc5: {  	_ =	shalt  }
tec
execute0_lowered:
.L_overlay_start_1:
0x0: {  	(tag) =	ssettag $0x1  }
0x1: {  	s9 =	rddreg [dreg:$0x0];
	s1 =	srdreg.scid  }
0x2: {  	s11 =	rddreg [dreg:$0x1];
	s0 =	stileid.u32;
	s22 =	sand.u32 $0x1, s1  }
0x3: {  	s20 =	rddreg [dreg:$0x2];
	s3 =	sshll.u32 s0, $0xA;
	s4 =	sshll.u32 s22, $0x9  }
0x4: {  	s2 =	simm.s32 $0x0;
	s1 =	rddreg [dreg:$0x3];
	s17 =	sor.u32 s4, s3  }
0x5: {  	[smem:$0x7FF] =	sst s2;
	s3 =	sshrl.u32 s17, $0x3  }
0x6: {  	_ =	strace $0x80000047;
	s4 =	simm.s32 $0x3;
	s3 =	sadd.s32 s9, s3  }
0x7: {  	[tilespmem:s2], [sflag:$0x3] =	stream.linear.gather [hbm4b:s3+s2], $0x80, $0x38;
	[tilespmem:$0x10200] =	vst v63  }
0x8: {  	s18 =	sor.u32 $0x80, s17;
	_ =	swait.ge [sflag:s4], $0x80  }
0x9: {  	s5 =	sshrl.u32 s18, $0x3;
	[sflag:s4] =	ssyncset.done $0x0  }
0xa: {  	s6 =	simm.s32 $0x80;
	s5 =	sadd.s32 s9, s5;
	[sflag:s4] =	ssyncadd.s32 $0xFFFFFF80  }
0xb: {  	[tilespmem:s6], [sflag:$0x3] =	stream.linear.gather [hbm4b:s5+s2], $0x80, $0x38;
	[tilespmem:$0x10200] =	vst v63  }
0xc: {  	s19 =	sor.u32 $0x100, s17;
	_ =	swait.ge [sflag:s4], $0x80  }
0xd: {  	s7 =	sshrl.u32 s19, $0x3;
	[sflag:s4] =	ssyncset.done $0x0  }
0xe: {  	s8 =	simm.s32 $0x100;
	s7 =	sadd.s32 s9, s7;
	[sflag:s4] =	ssyncadd.s32 $0xFFFFFF80  }
0xf: {  	[tilespmem:s8], [sflag:$0x3] =	stream.linear.gather [hbm4b:s7+s2], $0x80, $0x38;
	[tilespmem:$0x10200] =	vst v63  }
0x10: {  	s21 =	sor.u32 $0x180, s17;
	_ =	swait.ge [sflag:s4], $0x80  }
0x11: {  	s10 =	sshrl.u32 s21, $0x3;
	[sflag:s4] =	ssyncset.done $0x0  }
0x12: {  	s9 =	sadd.s32 s9, s10;
	s10 =	simm.s32 $0x180;
	[sflag:s4] =	ssyncadd.s32 $0xFFFFFF80  }
0x13: {  	[tilespmem:s10], [sflag:$0x3] =	stream.linear.gather [hbm4b:s9+s2], $0x80, $0x38;
	[tilespmem:$0x10200] =	vst v63  }
0x14: {  	_ =	swait.ge [sflag:s4], $0x80  }
0x15: {  	[sflag:s4] =	ssyncset.done $0x0  }
0x16: {  	s12 =	simm.s32 $0x200;
	s11 =	sadd.s32 $0x600, s11;
	[sflag:s4] =	ssyncadd.s32 $0xFFFFFF80  }
0x17: {  	[tilespmem:s12], [sflag:$0x1] =	stream.indirect.gather [hbm4b:s11+s6], $0x80, s2, s6, $0xb8;
	[tilespmem:$0x10200] =	vst v63  }
0x18: {  	s13 =	simm.s32 $0x4200  }
0x19: {  	[tilespmem:s13], [sflag:$0x1] =	stream.indirect.gather [hbm4b:s11+s6], $0x80, s6, s6, $0xb8;
	[tilespmem:$0x10200] =	vst v63  }
0x1a: {  	s14 =	simm.s32 $0x8200  }
0x1b: {  	[tilespmem:s14], [sflag:$0x1] =	stream.indirect.gather [hbm4b:s11+s6], $0x80, s8, s6, $0xb8;
	[tilespmem:$0x10200] =	vst v63  }
0x1c: {  	s15 =	simm.s32 $0xC200;
	s16 =	simm.s32 $0x1  }
0x1d: {  	[tilespmem:s15], [sflag:$0x1] =	stream.indirect.gather [hbm4b:s11+s6], $0x80, s10, s6, $0xb8;
	[tilespmem:$0x10200] =	vst v63  }
0x1e: {  	_ =	swait.ge [sflag:s16], $0x4000  }
0x1f: {  	[sflag:s16] =	ssyncset.done $0x0  }
0x20: {  	[sflag:s16] =	ssyncadd.s32 $0xFFFFC000  }
0x21: {  	_ =	swait.ge [sflag:s16], $0x4000  }
0x22: {  	[sflag:s16] =	ssyncset.done $0x0  }
0x23: {  	[sflag:s16] =	ssyncadd.s32 $0xFFFFC000  }
0x24: {  	_ =	swait.ge [sflag:s16], $0x4000  }
0x25: {  	[sflag:s16] =	ssyncset.done $0x0  }
0x26: {  	[sflag:s16] =	ssyncadd.s32 $0xFFFFC000  }
0x27: {  	_ =	swait.ge [sflag:s16], $0x4000  }
0x28: {  	s17 =	sshll.u32 s17, $0x4;
	[sflag:s16] =	ssyncset.done $0x0  }
0x29: {  	s17 =	sadd.s32 s20, s17;
	s18 =	sshll.u32 s18, $0x4;
	[sflag:s16] =	ssyncadd.s32 $0xFFFFC000  }
0x2a: {  	[hbm4b:s17+s2] =	stream.linear.scatter [tilespmem:s12], [sflag:$0x2], $0x4000, $0x38;
	[tilespmem:$0x10200] =	vst v63  }
0x2b: {  	s19 =	sshll.u32 s19, $0x4;
	s18 =	sadd.s32 s20, s18  }
0x2c: {  	[hbm4b:s18+s2] =	stream.linear.scatter [tilespmem:s13], [sflag:$0x2], $0x4000, $0x38;
	[tilespmem:$0x10200] =	vst v63  }
0x2d: {  	s21 =	sshll.u32 s21, $0x4;
	s19 =	sadd.s32 s20, s19  }
0x2e: {  	[hbm4b:s19+s2] =	stream.linear.scatter [tilespmem:s14], [sflag:$0x2], $0x4000, $0x38;
	[tilespmem:$0x10200] =	vst v63  }
0x2f: {  	s21 =	sadd.s32 s20, s21;
	s20 =	simm.s32 $0x2  }
0x30: {  	[hbm4b:s21+s2] =	stream.linear.scatter [tilespmem:s15], [sflag:$0x2], $0x4000, $0x38;
	[tilespmem:$0x10200] =	vst v63  }
0x31: {  	_ =	swait.ge [sflag:s20], $0x4000  }
0x32: {  	s22 =	ssub.s32 $0x2, s22;
	[sflag:s20] =	ssyncset.done $0x0  }
0x33: {  	s23 =	sshrl.u32 s22, $0x1;
	[sflag:s20] =	ssyncadd.s32 $0xFFFFC000  }
0x34: {  	s22 =	ssub.s32 s22, s23;
	_ =	swait.ge [sflag:s20], $0x4000  }
0x35: {  	s22 =	smax.u32 s22, $0x1;
	[sflag:s20] =	ssyncset.done $0x0  }
0x36: {  	p0 =	sne.s32 s22, $0x1;
	[sflag:s20] =	ssyncadd.s32 $0xFFFFC000  }
.Ltmp0:
0x37: {  	_ =	swait.ge [sflag:s20], $0x4000;
	(pc) =	sbr.rel @!p0 .LBB2_2-.Ltmp0, $4  }
0x38: {  	[sflag:s20] =	ssyncset.done $0x0  }
0x39: {  	[sflag:s20] =	ssyncadd.s32 $0xFFFFC000  }
0x3a: {  	_ =	swait.ge [sflag:s20], $0x4000  }
0x3b: {  	s22 =	sadd.s32 $0xFFFFFFFF, s22;
	[sflag:s20] =	ssyncset.done $0x0  }
.LBB2_1:
0x3c: {  	p0 =	sne.s32 s22, $0x1;
	s22 =	sadd.s32 $0xFFFFFFFF, s22;
	[sflag:s20] =	ssyncadd.s32 $0xFFFFC000  }
0x3d: {  	[tilespmem:s2], [sflag:$0x3] =	stream.linear.gather [hbm4b:s3+s2], $0x80, $0x38;
	[tilespmem:$0x10200] =	vst v63  }
0x3e: {  	_ =	swait.ge [sflag:s4], $0x80  }
0x3f: {  	[sflag:s4] =	ssyncset.done $0x0  }
0x40: {  	[sflag:s4] =	ssyncadd.s32 $0xFFFFFF80  }
0x41: {  	[tilespmem:s6], [sflag:$0x3] =	stream.linear.gather [hbm4b:s5+s2], $0x80, $0x38;
	[tilespmem:$0x10200] =	vst v63  }
0x42: {  	_ =	swait.ge [sflag:s4], $0x80  }
0x43: {  	[sflag:s4] =	ssyncset.done $0x0  }
0x44: {  	[sflag:s4] =	ssyncadd.s32 $0xFFFFFF80  }
0x45: {  	[tilespmem:s8], [sflag:$0x3] =	stream.linear.gather [hbm4b:s7+s2], $0x80, $0x38;
	[tilespmem:$0x10200] =	vst v63  }
0x46: {  	_ =	swait.ge [sflag:s4], $0x80  }
0x47: {  	[sflag:s4] =	ssyncset.done $0x0  }
0x48: {  	[sflag:s4] =	ssyncadd.s32 $0xFFFFFF80  }
0x49: {  	[tilespmem:s10], [sflag:$0x3] =	stream.linear.gather [hbm4b:s9+s2], $0x80, $0x38;
	[tilespmem:$0x10200] =	vst v63  }
0x4a: {  	_ =	swait.ge [sflag:s4], $0x80  }
0x4b: {  	[sflag:s4] =	ssyncset.done $0x0  }
0x4c: {  	[sflag:s4] =	ssyncadd.s32 $0xFFFFFF80  }
0x4d: {  	[tilespmem:s12], [sflag:$0x1] =	stream.indirect.gather [hbm4b:s11+s6], $0x80, s2, s6, $0xb8;
	[tilespmem:$0x10200] =	vst v63  }
0x4e: {  	_ = 	snop  }
0x4f: {  	[tilespmem:s13], [sflag:$0x1] =	stream.indirect.gather [hbm4b:s11+s6], $0x80, s6, s6, $0xb8;
	[tilespmem:$0x10200] =	vst v63  }
0x50: {  	_ = 	snop  }
0x51: {  	[tilespmem:s14], [sflag:$0x1] =	stream.indirect.gather [hbm4b:s11+s6], $0x80, s8, s6, $0xb8;
	[tilespmem:$0x10200] =	vst v63  }
0x52: {  	_ = 	snop  }
0x53: {  	[tilespmem:s15], [sflag:$0x1] =	stream.indirect.gather [hbm4b:s11+s6], $0x80, s10, s6, $0xb8;
	[tilespmem:$0x10200] =	vst v63  }
0x54: {  	_ =	swait.ge [sflag:s16], $0x4000  }
0x55: {  	[sflag:s16] =	ssyncset.done $0x0  }
0x56: {  	[sflag:s16] =	ssyncadd.s32 $0xFFFFC000  }
0x57: {  	_ =	swait.ge [sflag:s16], $0x4000  }
0x58: {  	[sflag:s16] =	ssyncset.done $0x0  }
0x59: {  	[sflag:s16] =	ssyncadd.s32 $0xFFFFC000  }
0x5a: {  	_ =	swait.ge [sflag:s16], $0x4000  }
0x5b: {  	[sflag:s16] =	ssyncset.done $0x0  }
0x5c: {  	[sflag:s16] =	ssyncadd.s32 $0xFFFFC000  }
0x5d: {  	_ =	swait.ge [sflag:s16], $0x4000  }
0x5e: {  	[sflag:s16] =	ssyncset.done $0x0  }
0x5f: {  	[sflag:s16] =	ssyncadd.s32 $0xFFFFC000  }
0x60: {  	[hbm4b:s17+s2] =	stream.linear.scatter [tilespmem:s12], [sflag:$0x2], $0x4000, $0x38;
	[tilespmem:$0x10200] =	vst v63  }
0x61: {  	_ = 	snop  }
0x62: {  	[hbm4b:s18+s2] =	stream.linear.scatter [tilespmem:s13], [sflag:$0x2], $0x4000, $0x38;
	[tilespmem:$0x10200] =	vst v63  }
0x63: {  	_ = 	snop  }
0x64: {  	[hbm4b:s19+s2] =	stream.linear.scatter [tilespmem:s14], [sflag:$0x2], $0x4000, $0x38;
	[tilespmem:$0x10200] =	vst v63  }
0x65: {  	_ = 	snop  }
0x66: {  	[hbm4b:s21+s2] =	stream.linear.scatter [tilespmem:s15], [sflag:$0x2], $0x4000, $0x38;
	[tilespmem:$0x10200] =	vst v63  }
0x67: {  	_ =	swait.ge [sflag:s20], $0x4000  }
0x68: {  	[sflag:s20] =	ssyncset.done $0x0  }
0x69: {  	[sflag:s20] =	ssyncadd.s32 $0xFFFFC000  }
0x6a: {  	_ =	swait.ge [sflag:s20], $0x4000  }
0x6b: {  	[sflag:s20] =	ssyncset.done $0x0  }
0x6c: {  	[sflag:s20] =	ssyncadd.s32 $0xFFFFC000  }
.Ltmp1:
0x6d: {  	_ =	swait.ge [sflag:s20], $0x4000;
	(pc) =	sbr.rel @p0 .LBB2_1-.Ltmp1, $4  }
0x6e: {  	[sflag:s20] =	ssyncset.done $0x0  }
0x6f: {  	[sflag:s20] =	ssyncadd.s32 $0xFFFFC000  }
0x70: {  	_ =	swait.ge [sflag:s20], $0x4000  }
0x71: {  	[sflag:s20] =	ssyncset.done $0x0  }
.LBB2_2:
0x72: {  	[sflag:s20] =	ssyncadd.s32 $0xFFFFC000  }
0x73: {  	_ =	sfence.sel $0x180000  }
0x74: {  	[bflag:$0x0] =	sbarrier.arrive $0xFFFF  }
0x75: {  	p0 =	sne.s32 s0, $0x0;
	_ =	strace $0x90000047  }
0x76: {  	s0 =	sadd.s32 @!p0 $0x100000, s1;
	[bflag:$0x2] =	sbarrier.arrive $0xFFFF  }
0x77: {  	[sflag:s0] =	ssyncadd.tile.s32 @!p0 $0x1;
	_ =	shalt  }
.Lfunc_end2:
_tile_overlayer_lowered:
.L_overlay_start_2:
0x78: {  	(tag) =	ssettag $0x2  }
0x79: {  	s0 =	rddreg [dreg:$0x0];
	s2 =	stileid.u32  }
0x7a: {  	s1 =	rddreg [dreg:$0x1];
	p0 =	sne.s32 s2, $0x0  }
0x7b: {  	s3 =	rddreg [dreg:$0x2];
	[bflag:$0x3] =	sbarrier.arrive $0xFFFF;
	s2 =	simm.s32 @!p0 $0x1C03  }
0x7c: {  	[timem:s3], [sflag:s2] =	dma.local @!p0 [hbm:s0], s1  }
0x7d: {  	s0 =	simm.s32 @!p0 $0x3  }
0x7e: {  	_ =	swait.ge @!p0 [sflag:s0], s1  }
0x7f: {  	s1 =	ssub.s32 @!p0 $0x0, s1;
	[sflag:s0] =	ssyncset.done @!p0 $0x0  }
0x80: {  	[sflag:s0] =	ssyncadd.s32 @!p0 s1  }
0x81: {  	[bflag:$0x3] =	sbarrier.arrive $0xFFFF  }
0x82: {  	_ =	shalt  }

</sc_bundles>
